<compile_context>
chip_gen: v7x
topology: tpu7x:2x2x1
jax: 0.10.2.dev20260603
libtpu: 0.0.44.dev20260713+nightly
codegen_flags: <defaults>
</compile_context>

<pallas_src>
import math

import jax
import jax.numpy as jnp
from jax import lax
from jax.experimental import pallas as pl
from jax.experimental.pallas import tpu as pltpu
from jax.experimental.pallas import tpu_sc as plsc

N_NODES = 100000
N_EDGES = 6400000
FACTOR = 1.0 / math.sqrt(64.0)

NC = 2
NS = 16
NW = NC * NS

NPAD = 100352
ROWS = NPAD // 16
EPW = N_EDGES // NW
CHUNK = 4000
NCH = EPW // CHUNK
GROUPS = CHUNK // 16
U = 10


def _sc_body(e_hbm, idx_hbm, out_hbm, acc, ib0, eb0, ib1, eb1,
             sem0, sem1):
    cid = lax.axis_index("c")
    sid = lax.axis_index("s")
    wid = sid * NC + cid
    wbase = wid * EPW

    def start(ch, ib, eb, sem):
        base = wbase + ch * CHUNK
        pltpu.async_copy(idx_hbm.at[pl.ds(base, CHUNK)], ib, sem)
        pltpu.async_copy(e_hbm.at[pl.ds(base, CHUNK)], eb, sem)

    def wait(ib, eb, sem):
        pltpu.make_async_copy(idx_hbm.at[pl.ds(0, CHUNK)], ib, sem).wait()
        pltpu.make_async_copy(e_hbm.at[pl.ds(0, CHUNK)], eb, sem).wait()

    def compute(ib, eb):
        @plsc.parallel_loop(0, GROUPS, unroll=U)
        def _(j):
            off = j * 16
            idx = ib[pl.ds(off, 16)]
            ev = eb[pl.ds(off, 16)]
            plsc.addupdate_scatter(acc, [idx], ev)

    start(0, ib0, eb0, sem0)

    zero = jnp.zeros((16,), jnp.float32)

    @plsc.parallel_loop(0, NPAD // 16, unroll=16)
    def _(i):
        acc[pl.ds(i * 16, 16)] = zero

    def pair(i, _):
        c0 = i * 2
        start(c0 + 1, ib1, eb1, sem1)
        wait(ib0, eb0, sem0)
        compute(ib0, eb0)

        @pl.when(c0 + 2 < NCH)
        def _():
            start(c0 + 2, ib0, eb0, sem0)

        wait(ib1, eb1, sem1)
        compute(ib1, eb1)
        return 0

    lax.fori_loop(0, NCH // 2, pair, 0)

    pltpu.sync_copy(acc, out_hbm.at[pl.ds(wid * NPAD, NPAD)])


@jax.jit
def _scatter_partials(e_flat, idx_flat):
    mesh = plsc.VectorSubcoreMesh(core_axis_name="c", subcore_axis_name="s")
    return pl.kernel(
        _sc_body,
        out_type=jax.ShapeDtypeStruct((NW * NPAD,), jnp.float32),
        mesh=mesh,
        compiler_params=pltpu.CompilerParams(
            needs_layout_passes=False, use_tc_tiling_on_sc=False),
        scratch_types=[
            pltpu.VMEM((NPAD,), jnp.float32),
            pltpu.VMEM((CHUNK,), jnp.int32),
            pltpu.VMEM((CHUNK,), jnp.float32),
            pltpu.VMEM((CHUNK,), jnp.int32),
            pltpu.VMEM((CHUNK,), jnp.float32),
            pltpu.SemaphoreType.DMA,
            pltpu.SemaphoreType.DMA,
        ],
    )(e_flat, idx_flat)


BLK = 56


def _combine_body(p_ref, o_ref):
    o_ref[...] = jnp.sum(p_ref[...], axis=0) * FACTOR


@jax.jit
def _combine(partial):
    p3 = partial.reshape(NW, NPAD // 128, 128)
    out = pl.pallas_call(
        _combine_body,
        grid=(NPAD // 128 // BLK,),
        in_specs=[pl.BlockSpec((NW, BLK, 128), lambda i: (0, i, 0))],
        out_specs=pl.BlockSpec((BLK, 128), lambda i: (i, 0)),
        out_shape=jax.ShapeDtypeStruct((NPAD // 128, 128), jnp.float32),
    )(p3)
    return out.reshape(NPAD)[:N_NODES].reshape(N_NODES, 1)


def kernel(edge_energy, edge_index, pos):
    idx_flat = edge_index[0].astype(jnp.int32)
    partial = _scatter_partials(edge_energy.reshape(-1), idx_flat)
    return _combine(partial)

# --- scband reference (transcript-rebuilt; emitter-appended) ---
"""Pipeline reference for scband-edgewise-energy-sum-7584912245352 (READ-ONLY COPY).

The authoritative reference and input builder live on the scoring server;
editing this copy changes nothing except your own understanding.
"""

import math
import jax, jax.numpy as jnp
import numpy as np

N_NODES = 100000
N_EDGES = 6400000
AVG_NUM_NEIGHBORS = 64.0


def setup_inputs(seed: int = 0) -> dict:
    key = jax.random.key(seed)
    k1, k2, k3 = jax.random.split(key, 3)
    edge_energy = jax.random.normal(k1, (N_EDGES, 1), dtype=jnp.float32)
    edge_index = jax.random.randint(k2, (2, N_EDGES), 0, N_NODES, dtype=jnp.int64)
    pos = jax.random.normal(k3, (N_NODES, 3), dtype=jnp.float32)
    return {"edge_energy": edge_energy, "edge_index": edge_index, "pos": pos}


def reference(edge_energy, edge_index, pos):
    # factor = 1/sqrt(avg_num_neighbors) since normalize_edge_energy_sum=True
    factor = 1.0 / math.sqrt(AVG_NUM_NEIGHBORS)
    edge_center = edge_index[0]
    e = edge_energy * factor
    # scatter-add edge energies into per-atom energies, dim_size = len(pos)
    atom_eng = jnp.zeros((pos.shape[0], 1), dtype=e.dtype).at[edge_center].add(e)
    return atom_eng

if __name__ == "__main__":
    import jax
    _d = setup_inputs()
    print(jax.jit(kernel)(*tuple(_d.values())))

</pallas_src>

<mosaic_0001>
#map = affine_map<(d0, d1) -> (0)>
module attributes {stable_mosaic.version = 14 : i64} {
  func.func @_sc_body(%arg0: i32, %arg1: i32, %arg2: memref<6400000xf32, #tpu.memory_space<hbm>>, %arg3: memref<6400000xi32, #tpu.memory_space<hbm>>, %arg4: memref<3211264xf32, #tpu.memory_space<hbm>>, %arg5: memref<100352xf32, #tpu.memory_space<vmem>>, %arg6: memref<4000xi32, #tpu.memory_space<vmem>>, %arg7: memref<4000xf32, #tpu.memory_space<vmem>>, %arg8: memref<4000xi32, #tpu.memory_space<vmem>>, %arg9: memref<4000xf32, #tpu.memory_space<vmem>>, %arg10: memref<!tpu.dma_semaphore, #tpu.memory_space<semaphore_mem>>, %arg11: memref<!tpu.dma_semaphore, #tpu.memory_space<semaphore_mem>>) attributes {dimension_semantics = [#tpu.dimension_semantics<core_parallel>, #tpu.dimension_semantics<subcore_parallel>], iteration_bounds = array<i64: 2, 16>, scalar_prefetch = 0 : i64, scratch_operands = 7 : i64, tpu.core_type = #tpu.core_type<sc_vector_subcore>, window_params = [{transform_indices = #map}, {transform_indices = #map}, {transform_indices = #map}]} {
    %mul3A = arith.constant 2 : i32
    %mul3A_0 = arith.muli %arg1, %mul3A : i32
    %add3A = arith.addi %mul3A_0, %arg0 : i32
    %mul3A_1 = arith.constant 200000 : i32
    %mul3A_2 = arith.muli %add3A, %mul3A_1 : i32
    %add3A_3 = arith.constant 0 : i32
    %add3A_4 = arith.addi %mul3A_2, %add3A_3 : i32
    %dma_start3A = tpu.memref_slice %arg3[%add3A_4] : memref<6400000xi32, #tpu.memory_space<hbm>> -> memref<4000xi32, #tpu.memory_space<hbm>>
    %dma_start3A_5 = tpu.memref_slice %arg3[%add3A_4] : memref<6400000xi32, #tpu.memory_space<hbm>> -> memref<4000xi32, #tpu.memory_space<hbm>>
    tpu.enqueue_dma source(%dma_start3A_5 : memref<4000xi32, #tpu.memory_space<hbm>>) target(%arg6 : memref<4000xi32, #tpu.memory_space<vmem>>) target_semaphore(%arg10 : memref<!tpu.dma_semaphore, #tpu.memory_space<semaphore_mem>>)
    %dma_start3A_6 = tpu.memref_slice %arg2[%add3A_4] : memref<6400000xf32, #tpu.memory_space<hbm>> -> memref<4000xf32, #tpu.memory_space<hbm>>
    %dma_start3A_7 = tpu.memref_slice %arg2[%add3A_4] : memref<6400000xf32, #tpu.memory_space<hbm>> -> memref<4000xf32, #tpu.memory_space<hbm>>
    tpu.enqueue_dma source(%dma_start3A_7 : memref<4000xf32, #tpu.memory_space<hbm>>) target(%arg7 : memref<4000xf32, #tpu.memory_space<vmem>>) target_semaphore(%arg10 : memref<!tpu.dma_semaphore, #tpu.memory_space<semaphore_mem>>)
    %broadcast_in_dim3A = arith.constant 0.000000e+00 : f32
    %broadcast_in_dim3A_8 = vector.broadcast %broadcast_in_dim3A : f32 to vector<16xf32>
    %parallel_loop3A = arith.constant 0 : i32
    %parallel_loop3A_9 = arith.constant 6272 : i32
    %parallel_loop3A_10 = arith.constant 1 : i32
    scf.for %parallel_loop3A_19 = %parallel_loop3A to %parallel_loop3A_9 step %parallel_loop3A_10  : i32 {
      %parallel_loop3A_20 = arith.constant 16 : i32
      %parallel_loop3A_21 = arith.muli %parallel_loop3A_19, %parallel_loop3A_20 : i32
      %parallel_loop3A_22 = arith.index_cast %parallel_loop3A_21 : i32 to index
      %parallel_loop3A_23 = tpu.vector_load %arg5[%parallel_loop3A_22] {strides = array<i32>} : memref<100352xf32, #tpu.memory_space<vmem>>, vector<16xf32>,
      tpu.vector_store %arg5[%parallel_loop3A_22], %broadcast_in_dim3A_8 {strides = array<i32>} : memref<100352xf32, #tpu.memory_space<vmem>>, vector<16xf32>,
    } {sc.loop_unroll_factor = 16 : i64, sc.parallel_access}
    %scan3A = arith.constant 0 : i32
    %scan3A_11 = arith.constant 0 : i32
    %scan3A_12 = arith.constant 25 : i32
    %scan3A_13 = arith.addi %scan3A_11, %scan3A_12 : i32
    %scan3A_14 = arith.constant 1 : i32
    %scan3A_15 = scf.for %scan3A_19 = %scan3A_11 to %scan3A_13 step %scan3A_14 iter_args(%scan3A_20 = %scan3A) -> (i32)  : i32 {
      %mul3A_21 = arith.constant 2 : i32
      %mul3A_22 = arith.muli %scan3A_19, %mul3A_21 : i32
      %add3A_23 = arith.constant 1 : i32
      %add3A_24 = arith.addi %mul3A_22, %add3A_23 : i32
      %mul3A_25 = arith.constant 4000 : i32
      %mul3A_26 = arith.muli %add3A_24, %mul3A_25 : i32
      %add3A_27 = arith.addi %mul3A_2, %mul3A_26 : i32
      %dma_start3A_28 = tpu.memref_slice %arg3[%add3A_27] : memref<6400000xi32, #tpu.memory_space<hbm>> -> memref<4000xi32, #tpu.memory_space<hbm>>
      %dma_start3A_29 = tpu.memref_slice %arg3[%add3A_27] : memref<6400000xi32, #tpu.memory_space<hbm>> -> memref<4000xi32, #tpu.memory_space<hbm>>
      tpu.enqueue_dma source(%dma_start3A_29 : memref<4000xi32, #tpu.memory_space<hbm>>) target(%arg8 : memref<4000xi32, #tpu.memory_space<vmem>>) target_semaphore(%arg11 : memref<!tpu.dma_semaphore, #tpu.memory_space<semaphore_mem>>)
      %dma_start3A_30 = tpu.memref_slice %arg2[%add3A_27] : memref<6400000xf32, #tpu.memory_space<hbm>> -> memref<4000xf32, #tpu.memory_space<hbm>>
      %dma_start3A_31 = tpu.memref_slice %arg2[%add3A_27] : memref<6400000xf32, #tpu.memory_space<hbm>> -> memref<4000xf32, #tpu.memory_space<hbm>>
      tpu.enqueue_dma source(%dma_start3A_31 : memref<4000xf32, #tpu.memory_space<hbm>>) target(%arg9 : memref<4000xf32, #tpu.memory_space<vmem>>) target_semaphore(%arg11 : memref<!tpu.dma_semaphore, #tpu.memory_space<semaphore_mem>>)
      %dma_wait3A = arith.constant 0 : i32
      %dma_wait3A_32 = tpu.memref_slice %arg3[%dma_wait3A] : memref<6400000xi32, #tpu.memory_space<hbm>> -> memref<4000xi32, #tpu.memory_space<hbm>>
      %dma_wait3A_33 = arith.constant 0 : i32
      %dma_wait3A_34 = tpu.memref_slice %arg3[%dma_wait3A_33] : memref<6400000xi32, #tpu.memory_space<hbm>> -> memref<4000xi32, #tpu.memory_space<hbm>>
      tpu.wait_dma2 semaphore(%arg10 : memref<!tpu.dma_semaphore, #tpu.memory_space<semaphore_mem>>) src(%dma_wait3A_34 : memref<4000xi32, #tpu.memory_space<hbm>>) dst(%arg6 : memref<4000xi32, #tpu.memory_space<vmem>>)
      %dma_wait3A_35 = arith.constant 0 : i32
      %dma_wait3A_36 = tpu.memref_slice %arg2[%dma_wait3A_35] : memref<6400000xf32, #tpu.memory_space<hbm>> -> memref<4000xf32, #tpu.memory_space<hbm>>
      %dma_wait3A_37 = arith.constant 0 : i32
      %dma_wait3A_38 = tpu.memref_slice %arg2[%dma_wait3A_37] : memref<6400000xf32, #tpu.memory_space<hbm>> -> memref<4000xf32, #tpu.memory_space<hbm>>
      tpu.wait_dma2 semaphore(%arg10 : memref<!tpu.dma_semaphore, #tpu.memory_space<semaphore_mem>>) src(%dma_wait3A_38 : memref<4000xf32, #tpu.memory_space<hbm>>) dst(%arg7 : memref<4000xf32, #tpu.memory_space<vmem>>)
      %parallel_loop3A_39 = arith.constant 0 : i32
      %parallel_loop3A_40 = arith.constant 250 : i32
      %parallel_loop3A_41 = arith.constant 1 : i32
      scf.for %parallel_loop3A_58 = %parallel_loop3A_39 to %parallel_loop3A_40 step %parallel_loop3A_41  : i32 {
        %parallel_loop3A_59 = arith.constant 16 : i32
        %parallel_loop3A_60 = arith.muli %parallel_loop3A_58, %parallel_loop3A_59 : i32
        %parallel_loop3A_61 = arith.index_cast %parallel_loop3A_60 : i32 to index
        %parallel_loop3A_62 = tpu.vector_load %arg6[%parallel_loop3A_61] {strides = array<i32>} : memref<4000xi32, #tpu.memory_space<vmem>>, vector<16xi32>,
        %parallel_loop3A_63 = arith.index_cast %parallel_loop3A_60 : i32 to index
        %parallel_loop3A_64 = tpu.vector_load %arg7[%parallel_loop3A_63] {strides = array<i32>} : memref<4000xf32, #tpu.memory_space<vmem>>, vector<16xf32>,
        tpu.vector_store_idx %arg5[%parallel_loop3A_62], %parallel_loop3A_64 {add = true} : memref<100352xf32, #tpu.memory_space<vmem>>[vector<16xi32>], vector<16xf32>,
      } {sc.loop_unroll_factor = 10 : i64, sc.parallel_access}
      %add3A_42 = arith.constant 2 : i32
      %add3A_43 = arith.addi %mul3A_22, %add3A_42 : i32
      %lt3A = arith.constant 50 : i32
      %lt3A_44 = arith.cmpi slt, %add3A_43, %lt3A : i32
      %convert_element_type3A = arith.extui %lt3A_44 : i1 to i32
      %cond3A = arith.constant 0 : i32
      %cond3A_45 = arith.cmpi ne, %convert_element_type3A, %cond3A : i32
      scf.if %cond3A_45 {
        %add3A_58 = arith.constant 2 : i32
        %add3A_59 = arith.addi %mul3A_22, %add3A_58 : i32
        %mul3A_60 = arith.constant 4000 : i32
        %mul3A_61 = arith.muli %add3A_59, %mul3A_60 : i32
        %add3A_62 = arith.addi %mul3A_2, %mul3A_61 : i32
        %dma_start3A_63 = tpu.memref_slice %arg3[%add3A_62] : memref<6400000xi32, #tpu.memory_space<hbm>> -> memref<4000xi32, #tpu.memory_space<hbm>>
        %dma_start3A_64 = tpu.memref_slice %arg3[%add3A_62] : memref<6400000xi32, #tpu.memory_space<hbm>> -> memref<4000xi32, #tpu.memory_space<hbm>>
        tpu.enqueue_dma source(%dma_start3A_64 : memref<4000xi32, #tpu.memory_space<hbm>>) target(%arg6 : memref<4000xi32, #tpu.memory_space<vmem>>) target_semaphore(%arg10 : memref<!tpu.dma_semaphore, #tpu.memory_space<semaphore_mem>>)
        %dma_start3A_65 = tpu.memref_slice %arg2[%add3A_62] : memref<6400000xf32, #tpu.memory_space<hbm>> -> memref<4000xf32, #tpu.memory_space<hbm>>
        %dma_start3A_66 = tpu.memref_slice %arg2[%add3A_62] : memref<6400000xf32, #tpu.memory_space<hbm>> -> memref<4000xf32, #tpu.memory_space<hbm>>
        tpu.enqueue_dma source(%dma_start3A_66 : memref<4000xf32, #tpu.memory_space<hbm>>) target(%arg7 : memref<4000xf32, #tpu.memory_space<vmem>>) target_semaphore(%arg10 : memref<!tpu.dma_semaphore, #tpu.memory_space<semaphore_mem>>)
      } else {
      }
      %dma_wait3A_46 = arith.constant 0 : i32
      %dma_wait3A_47 = tpu.memref_slice %arg3[%dma_wait3A_46] : memref<6400000xi32, #tpu.memory_space<hbm>> -> memref<4000xi32, #tpu.memory_space<hbm>>
      %dma_wait3A_48 = arith.constant 0 : i32
      %dma_wait3A_49 = tpu.memref_slice %arg3[%dma_wait3A_48] : memref<6400000xi32, #tpu.memory_space<hbm>> -> memref<4000xi32, #tpu.memory_space<hbm>>
      tpu.wait_dma2 semaphore(%arg11 : memref<!tpu.dma_semaphore, #tpu.memory_space<semaphore_mem>>) src(%dma_wait3A_49 : memref<4000xi32, #tpu.memory_space<hbm>>) dst(%arg8 : memref<4000xi32, #tpu.memory_space<vmem>>)
      %dma_wait3A_50 = arith.constant 0 : i32
      %dma_wait3A_51 = tpu.memref_slice %arg2[%dma_wait3A_50] : memref<6400000xf32, #tpu.memory_space<hbm>> -> memref<4000xf32, #tpu.memory_space<hbm>>
      %dma_wait3A_52 = arith.constant 0 : i32
      %dma_wait3A_53 = tpu.memref_slice %arg2[%dma_wait3A_52] : memref<6400000xf32, #tpu.memory_space<hbm>> -> memref<4000xf32, #tpu.memory_space<hbm>>
      tpu.wait_dma2 semaphore(%arg11 : memref<!tpu.dma_semaphore, #tpu.memory_space<semaphore_mem>>) src(%dma_wait3A_53 : memref<4000xf32, #tpu.memory_space<hbm>>) dst(%arg9 : memref<4000xf32, #tpu.memory_space<vmem>>)
      %parallel_loop3A_54 = arith.constant 0 : i32
      %parallel_loop3A_55 = arith.constant 250 : i32
      %parallel_loop3A_56 = arith.constant 1 : i32
      scf.for %parallel_loop3A_58 = %parallel_loop3A_54 to %parallel_loop3A_55 step %parallel_loop3A_56  : i32 {
        %parallel_loop3A_59 = arith.constant 16 : i32
        %parallel_loop3A_60 = arith.muli %parallel_loop3A_58, %parallel_loop3A_59 : i32
        %parallel_loop3A_61 = arith.index_cast %parallel_loop3A_60 : i32 to index
        %parallel_loop3A_62 = tpu.vector_load %arg8[%parallel_loop3A_61] {strides = array<i32>} : memref<4000xi32, #tpu.memory_space<vmem>>, vector<16xi32>,
        %parallel_loop3A_63 = arith.index_cast %parallel_loop3A_60 : i32 to index
        %parallel_loop3A_64 = tpu.vector_load %arg9[%parallel_loop3A_63] {strides = array<i32>} : memref<4000xf32, #tpu.memory_space<vmem>>, vector<16xf32>,
        tpu.vector_store_idx %arg5[%parallel_loop3A_62], %parallel_loop3A_64 {add = true} : memref<100352xf32, #tpu.memory_space<vmem>>[vector<16xi32>], vector<16xf32>,
      } {sc.loop_unroll_factor = 10 : i64, sc.parallel_access}
      %scan3A_57 = arith.constant 0 : i32
      scf.yield %scan3A_57 : i32
    }
    %scan3A_16 = arith.constant 25 : i32
    %mul3A_17 = arith.constant 100352 : i32
    %mul3A_18 = arith.muli %add3A, %mul3A_17 : i32
    "tpu.region"() ({
      %run_scoped3A = tpu.sem_alloc : memref<!tpu.dma_semaphore, #tpu.memory_space<semaphore_mem>>
      %dma_start3A_19 = tpu.memref_slice %arg4[%mul3A_18] : memref<3211264xf32, #tpu.memory_space<hbm>> -> memref<100352xf32, #tpu.memory_space<hbm>>
      %dma_start3A_20 = tpu.memref_slice %arg4[%mul3A_18] : memref<3211264xf32, #tpu.memory_space<hbm>> -> memref<100352xf32, #tpu.memory_space<hbm>>
      tpu.enqueue_dma source(%arg5 : memref<100352xf32, #tpu.memory_space<vmem>>) target(%dma_start3A_20 : memref<100352xf32, #tpu.memory_space<hbm>>) target_semaphore(%run_scoped3A : memref<!tpu.dma_semaphore, #tpu.memory_space<semaphore_mem>>)
      %dma_wait3A = tpu.memref_slice %arg4[%mul3A_18] : memref<3211264xf32, #tpu.memory_space<hbm>> -> memref<100352xf32, #tpu.memory_space<hbm>>
      %dma_wait3A_21 = tpu.memref_slice %arg4[%mul3A_18] : memref<3211264xf32, #tpu.memory_space<hbm>> -> memref<100352xf32, #tpu.memory_space<hbm>>
      tpu.wait_dma2 semaphore(%run_scoped3A : memref<!tpu.dma_semaphore, #tpu.memory_space<semaphore_mem>>) src(%arg5 : memref<100352xf32, #tpu.memory_space<vmem>>) dst(%dma_wait3A_21 : memref<100352xf32, #tpu.memory_space<hbm>>)
      tpu.yield
    }) : () -> ()
    return
  }
}

</mosaic_0001>

<sc_bundles>
// kernel: _scatter_partials.3.cloned.1.call-start
scs
__scs_entry_jumppad:
0x0: {  	(pc) =	sbr.rel $0x88, $3  }
0x1: {  	(tag) =	ssettag $0x0;
	lr =	simm.s32 $0x1  }
0x2: {  	[smem:$0x3F9F] =	sst lr;
	_ =	strace $0xD0000000  }
0x3: {  	_ = 	snop  }
0x4: {  	_ = 	snop  }
0x5: {  	_ = 	snop  }
0x6: {  	_ = 	snop  }
0x7: {  	_ = 	snop  }
__scs_overlays_trampoline_lowered:
0x8: {  	[smem:$0x3FAE] =	sst s0  }
0x9: {  	[smem:$0x3FAF] =	sst s1  }
0xa: {  	[smem:$0x3FB0] =	sst s2  }
0xb: {  	[smem:$0x3FB1] =	sst s3  }
0xc: {  	[smem:$0x3FB2] =	sst s4  }
0xd: {  	[smem:$0x3FB3] =	sst s5  }
0xe: {  	[smem:$0x3FB4] =	sst s6  }
0xf: {  	[smem:$0x3FB5] =	sst s7  }
0x10: {  	[smem:$0x3FB6] =	sst s8  }
0x11: {  	[smem:$0x3FB7] =	sst s9;
	s0 =	simm.s32 @!p0 $0x0  }
0x12: {  	s1 =	sld [smem:$0x3F9D];
	s0 =	simm.s32 @p0 $0x1  }
0x13: {  	[smem:$0x3FB8] =	sst s0;
	s0 =	simm.s32 @!p1 $0x0  }
0x14: {  	s2 =	sld [smem:$0x3F9C];
	s0 =	simm.s32 @p1 $0x1  }
0x15: {  	[smem:$0x3FB9] =	sst s0;
	s0 =	simm.s32 @!p2 $0x0  }
0x16: {  	s3 =	sld [smem:$0x3FDB];
	s0 =	simm.s32 @p2 $0x1  }
0x17: {  	s4 =	simm.s32 $0x1BF5;
	[smem:$0x3FBB] =	sst s0  }
0x18: {  	s0 =	sld [smem:$0x3F9E];
	_ =	swait.ge [sflag:s4], $0x0  }
0x19: {  	s7 =	sld [smem:$0x3F9F]  }
0x1a: {  	s8 =	sadd.s32 $0xFFFFE003, lr  }
0x1b: {  	s9 =	sadd.s32 $0xFFFFFEF7, lr;
	s5 =	simm.s32 $0xFFFFFFFF;
	p2 =	slt.u32 s8, $0xFFFFF086  }
0x1c: {  	p1 =	slt.u32 s9, $0xF7A;
	s5 =	simm.s32 @!p2 $0x0  }
0x1d: {  	s5 =	simm.s32 @p1 $0x1;
	p0 =	seq.s32 s7, s2  }
0x1e: {  	s7 =	smul.u32 @!p0 $0xF7A, s2;
	p2 =	seq.s32 @!p0 s5, $0x0  }
0x1f: {  	s9 =	smul.u32 $0xF7A, s1;
	s8 =	simm.s32 @!p0 $0x1BF5;
	p2 =	por !p2, p0  }
0x20: {  	[sflag:s8] =	ssyncset.s32 @!p0 $0xFFFFF086;
	s6 =	sadd.s32 @!p0 s3, s7;
	s7 =	simm.s32 @!p0 $0x108  }
0x21: {  	s3 =	sadd.s32 s3, s9;
	s6 =	sadd.s32 @!p0 $0x88, s6;
	s7 =	simm.s32 @p2 $0x1082  }
0x22: {  	[simem:s7], [sflag:s8] =	dma.local @!p0 [hbm:s6], $0xF7A  }
0x23: {  	s9 =	sor.u32 $0xD0000000, s2;
	s6 =	simm.s32 $0x108;
	_ =	swait.ge @!p0 [sflag:s8], $0x0  }
0x24: {  	s3 =	sadd.s32 $0x88, s3;
	s6 =	simm.s32 @!p1 $0x1082;
	[sflag:s4] =	ssyncset.s32 $0xFFFFF086  }
0x25: {  	[simem:s6], [sflag:s4] =	dma.local [hbm:s3], $0xF7A  }
0x26: {  	[smem:$0x3F9F] =	sst s1;
	(tag) =	ssettag s2;
	_ =	strace s9  }
0x27: {  	s1 =	sld [smem:$0x3FAF]  }
0x28: {  	s2 =	sld [smem:$0x3FB0]  }
0x29: {  	s4 =	sld [smem:$0x3FB2]  }
0x2a: {  	p0 =	seq.s32 s5, $0x0;
	s5 =	sld [smem:$0x3FB3]  }
0x2b: {  	s6 =	sld [smem:$0x3FB4]  }
0x2c: {  	s7 =	sld [smem:$0x3FB5]  }
0x2d: {  	s3 =	simm.s32 $0x108;
	s8 =	sld [smem:$0x3FB6]  }
0x2e: {  	s3 =	simm.s32 @!p0 $0x1082;
	s9 =	sld [smem:$0x3FB7]  }
0x2f: {  	lr =	sadd.s32 s0, s3;
	s0 =	sld [smem:$0x3FAE]  }
0x30: {  	s3 =	sld [smem:$0x3FB1]  }
0x31: {  	[smem:$0x3FBA] =	sst s10  }
0x32: {  	s10 =	sld [smem:$0x3FB8];
	_ =	sdelay $0x3  }
0x33: {  	p0 =	seq.s32 s10, $0x1;
	s10 =	sld [smem:$0x3FBA];
	_ =	sdelay $0x3  }
0x34: {  	[smem:$0x3FBA] =	sst s10  }
0x35: {  	s10 =	sld [smem:$0x3FB9];
	_ =	sdelay $0x3  }
0x36: {  	p1 =	seq.s32 s10, $0x1;
	s10 =	sld [smem:$0x3FBA];
	_ =	sdelay $0x3  }
0x37: {  	[smem:$0x3FBA] =	sst s10  }
0x38: {  	s10 =	sld [smem:$0x3FBB]  }
0x39: {  	_ = 	snop;
	(pc) =	sbr.ind lr, $3  }
0x3a: {  	_ = 	snop  }
0x3b: {  	_ = 	snop  }
0x3c: {  	p2 =	seq.s32 s10, $0x1;
	s10 =	sld [smem:$0x3FBA]  }
0x3d: {  	_ =	shalt  }
0x3e: {  	_ =	shalt  }
0x3f: {  	_ =	shalt  }
0x40: {  	_ =	shalt  }
0x41: {  	_ =	shalt  }
0x42: {  	_ =	shalt  }
0x43: {  	_ =	shalt  }
0x44: {  	_ =	shalt  }
0x45: {  	_ =	shalt  }
0x46: {  	_ =	shalt  }
0x47: {  	_ =	shalt  }
0x48: {  	_ =	shalt  }
0x49: {  	_ =	shalt  }
0x4a: {  	_ =	shalt  }
0x4b: {  	_ =	shalt  }
0x4c: {  	_ =	shalt  }
0x4d: {  	_ =	shalt  }
0x4e: {  	_ =	shalt  }
0x4f: {  	_ =	shalt  }
0x50: {  	_ =	shalt  }
0x51: {  	_ =	shalt  }
0x52: {  	_ =	shalt  }
0x53: {  	_ =	shalt  }
0x54: {  	_ =	shalt  }
0x55: {  	_ =	shalt  }
0x56: {  	_ =	shalt  }
0x57: {  	_ =	shalt  }
0x58: {  	_ =	shalt  }
0x59: {  	_ =	shalt  }
0x5a: {  	_ =	shalt  }
0x5b: {  	_ =	shalt  }
0x5c: {  	_ =	shalt  }
0x5d: {  	_ =	shalt  }
0x5e: {  	_ =	shalt  }
0x5f: {  	_ =	shalt  }
0x60: {  	_ =	shalt  }
0x61: {  	_ =	shalt  }
0x62: {  	_ =	shalt  }
0x63: {  	_ =	shalt  }
0x64: {  	_ =	shalt  }
0x65: {  	_ =	shalt  }
0x66: {  	_ =	shalt  }
0x67: {  	_ =	shalt  }
0x68: {  	_ =	shalt  }
0x69: {  	_ =	shalt  }
0x6a: {  	_ =	shalt  }
0x6b: {  	_ =	shalt  }
0x6c: {  	_ =	shalt  }
0x6d: {  	_ =	shalt  }
0x6e: {  	_ =	shalt  }
0x6f: {  	_ =	shalt  }
0x70: {  	_ =	shalt  }
0x71: {  	_ =	shalt  }
0x72: {  	_ =	shalt  }
0x73: {  	_ =	shalt  }
0x74: {  	_ =	shalt  }
0x75: {  	_ =	shalt  }
0x76: {  	_ =	shalt  }
0x77: {  	_ =	shalt  }
0x78: {  	_ =	shalt  }
0x79: {  	_ =	shalt  }
0x7a: {  	_ =	shalt  }
0x7b: {  	_ =	shalt  }
0x7c: {  	_ =	shalt  }
0x7d: {  	_ =	shalt  }
0x7e: {  	_ =	shalt  }
0x7f: {  	_ =	shalt  }
0x80: {  	_ =	shalt  }
0x81: {  	_ =	shalt  }
0x82: {  	_ =	shalt  }
0x83: {  	_ =	shalt  }
0x84: {  	_ =	shalt  }
0x85: {  	_ =	shalt  }
0x86: {  	_ =	shalt  }
0x87: {  	_ =	shalt  }
.Lfunc_end0:
.L_simem_size_0:
called_computation_lowered:
.L_overlay_start_0:
0x88: {  	s2 =	sld [smem:$0x3FD9]  }
0x89: {  	s3 =	sld [smem:$0x3FFE];
	_ =	sdelay $0x1  }
0x8a: {  	s1 =	srdreg.scid  }
0x8b: {  	s0 =	sand.u32 $0x1, s1  }
0x8c: {  	s18 =	sshll.u32 s0, $0xA;
	s2 =	sadd.s32 s3, s2  }
0x8d: {  	s2 =	sadd.s32 s2, s18  }
0x8e: {  	[smem:$0x3FC6] =	sst s2  }
0x8f: {  	_ = 	snop  }
0x90: {  	s2 =	sld [smem:$0x3FC9]  }
0x91: {  	s19 =	sld [smem:$0x3FC8]  }
0x92: {  	s4 =	sld [smem:$0x3FD0];
	(tm) =	ssettm $0x1  }
0x93: {  	s5 =	sld [smem:$0x3FFB];
	_ =	sdelay $0x3  }
0x94: {  	_ =	strace s5  }
0x95: {  	s5 =	sld [smem:$0x3FFC];
	_ =	sdelay $0x3  }
0x96: {  	_ =	strace s5  }
0x97: {  	s5 =	sld [smem:$0x3FFD];
	_ =	sdelay $0x3  }
0x98: {  	_ =	strace s5  }
0x99: {  	_ =	strace $0x8FFFFFFF  }
0x9a: {  	s20 =	sld [smem:$0x3FDB];
	_ =	sdelay $0x1  }
0x9b: {  	s6 =	simm.s32 $_scs_section_size  }
0x9c: {  	s7 =	simm.s32 $_size__tile_overlayer_lowered;
	s8 =	simm.s32 $_tile_overlayer_lowered  }
0x9d: {  	s23 =	simm.s32 $0x1BFF;
	s22 =	sshll.u32 s8, $0x1;
	s5 =	sadd.s32 s6, s20  }
0x9e: {  	s9 =	simm.s32 $0x0;
	s21 =	sshll.u32 s7, $0x1;
	s7 =	sadd.s32 s22, s5  }
0x9f: {  	[timem:s9], [sflag:s23] =	dma.local [hbm:s7], s21  }
0xa0: {  	_ =	swait.ge [sflag:s23], s21  }
0xa1: {  	s6 =	ssub.s32 $0x0, s21;
	[sflag:s23] =	ssyncset.done $0x0  }
0xa2: {  	[sflag:s23] =	ssyncadd.s32 s6;
	_ =	sdelay $0x1  }
0xa3: {  	s24 =	simm.s32 $0x1B8B  }
0xa4: {  	_ =	swait.ge [sflag:s24], $0x1  }
0xa5: {  	[sflag:s24] =	ssyncset.done $0x0  }
0xa6: {  	s25 =	simm.s32 $0x1B8E;
	[sflag:s24] =	ssyncadd.s32 $0xFFFFFFFF  }
0xa7: {  	s26 =	simm.s32 $execute0_lowered;
	[smem:$0x3FD2] =	sst s25  }
0xa8: {  	s6 =	sshll.u32 s26, $0x1;
	_ =	strace $0x80000046;
	[dreg:$0x1] =	wrdreg $0xFFFFFFFF  }
0xa9: {  	s28 =	simm.s32 $_size_execute0_lowered;
	s5 =	sadd.s32 s5, s6;
	[dreg:$0x0] =	wrdreg $0x0  }
0xaa: {  	s6 =	sshll.u32 s28, $0x1;
	[dreg:$0x2] =	wrdreg s5  }
0xab: {  	[dreg:$0x3] =	wrdreg s6  }
0xac: {  	[dreg:$0x4] =	wrdreg $0xC0  }
0xad: {  	_ =	task [dreg:s9], $0x5FFFF  }
0xae: {  	[dreg:$0x1] =	wrdreg $0xFFFFFFFF  }
0xaf: {  	[dreg:$0x0] =	wrdreg $0x60  }
0xb0: {  	[dreg:$0x2] =	wrdreg s2  }
0xb1: {  	[dreg:$0x3] =	wrdreg s19  }
0xb2: {  	[dreg:$0x4] =	wrdreg s4  }
0xb3: {  	[dreg:$0x5] =	wrdreg $0x9  }
0xb4: {  	_ =	task.clear_ibuf [dreg:s9], $0x6FFFF;
	_ =	strace $0x90000046  }
0xb5: {  	s29 =	simm.s32 $0x9;
	_ =	strace $0x80000048  }
0xb6: {  	_ =	swait.ge [sflag:s29], $0x1  }
0xb7: {  	[sflag:s29] =	ssyncadd.s32 $0xFFFFFFFF  }
0xb8: {  	_ =	strace $0x90000048  }
0xb9: {  	_ =	sfence  }
0xba: {  	s30 =	sld [smem:$0x0];
	_ =	sdelay $0x2  }
0xbb: {  	s31 =	sshll.u32 s1, $0xD;
	s1 =	sshrl.u32 s1, $0x2  }
0xbc: {  	s3 =	sand.u32 $0x4000, s31;
	s1 =	sadd.s32 s1, s30  }
0xbd: {  	s0 =	sor.u32 s3, s0;
	s1 =	sshll.u32 s1, $0x11  }
0xbe: {  	s0 =	sor.u32 s1, s0  }
0xbf: {  	s0 =	sadd.s32 $0x8F2B, s0  }
0xc0: {  	[sflag:s0] =	ssyncadd.remote.s32 $0x1  }
0xc1: {  	_ =	sfence.sel $0xFFFF  }
0xc2: {  	[dreg:$0x0] =	wrdreg $0xFFFFFFFF;
	(pc) =	sbr.abs _section_cstart, $3  }
0xc3: {  	[dreg:$0x1] =	wrdreg $0xFFFFFFFF  }
0xc4: {  	_ =	task.clear_ibuf [dreg:s9], $0x2FFFF;
	_ =	strace $0x9FFFFFFF  }
0xc5: {  	(tm) =	ssettm $0x7FFFFFFF  }
tec
execute0_lowered:
.L_overlay_start_1:
0x0: {  	(tag) =	ssettag $0x1  }
0x1: {  	s1 =	rddreg [dreg:$0x0]  }
0x2: {  	s3 =	rddreg [dreg:$0x1];
	s2 =	srdreg.scid  }
0x3: {  	s0 =	stileid.u32;
	s9 =	rddreg [dreg:$0x2]  }
0x4: {  	s4 =	simm.s32 $0x0;
	s13 =	simm.s32 $0x1A740;
	s14 =	simm.s32 $0x1B6E0  }
0x5: {  	s15 =	simm.s32 $0x1;
	s16 =	simm.s32 $0x2;
	s17 =	simm.s32 $0x3  }
0x6: {  	s18 =	simm.s32 $0x0;
	s5 =	sand.u32 $0x1, s2;
	s6 =	sshll.u32 s0, $0x1  }
0x7: {  	s2 =	rddreg [dreg:$0x3];
	s6 =	sor.u32 s5, s6;
	s5 =	ssub.s32 $0x2, s5  }
0x8: {  	[smem:$0x7FF] =	sst s4;
	s8 =	smul.u32 $0x30D40, s6;
	s7 =	sshrl.u32 s5, $0x1  }
0x9: {  	_ =	strace $0x80000047;
	s11 =	smul.u32 $0x3100, s6;
	s12 =	ssub.s32 s5, s7  }
0xa: {  	s10 =	sshrl.u32 s8, $0x3;
	s7 =	sadd.s32 $0xFA0, s8;
	s8 =	sadd.s32 $0x1F40, s8  }
0xb: {  	s9 =	sadd.s32 s9, s11;
	s11 =	simm.s32 $0x18800;
	s5 =	sadd.s32 s3, s10  }
0xc: {  	v0 =	vimm.f32 $0.0e+00;
	s6 =	sadd.s32 s1, s10;
	s10 =	smax.u32 s12, $0x1;
	s12 =	simm.s32 $0x197A0  }
.LBB2_1:
0xd: {  	[tilespmem:s11], [sflag:$0x1] =	stream.linear.gather [hbm4b:s5+s4], $0xFA0, $0x38;
	[tilespmem:$0x1C680] =	vst v63  }
0xe: {  	s19 =	simm.s32 $0x80  }
0xf: {  	[tilespmem:s12], [sflag:$0x1] =	stream.linear.gather [hbm4b:s6+s4], $0xFA0, $0x38;
	[tilespmem:$0x1C680] =	vst v63  }
0x10: {  	[tilespmem:s19+$0xFFFFFF80] =	vst v0  }
0x11: {  	[tilespmem:s19+$0x70] =	vst v0  }
0x12: {  	[tilespmem:s19+$0x60] =	vst v0  }
0x13: {  	[tilespmem:s19+$0x50] =	vst v0  }
0x14: {  	[tilespmem:s19+$0x40] =	vst v0  }
0x15: {  	[tilespmem:s19+$0x30] =	vst v0  }
0x16: {  	[tilespmem:s19+$0x20] =	vst v0  }
0x17: {  	[tilespmem:s19+$0x10] =	vst v0  }
0x18: {  	[tilespmem:s19+$0x0] =	vst v0  }
0x19: {  	[tilespmem:s19+$0xFFFFFFF0] =	vst v0  }
0x1a: {  	[tilespmem:s19+$0xFFFFFFE0] =	vst v0  }
0x1b: {  	[tilespmem:s19+$0xFFFFFFD0] =	vst v0  }
0x1c: {  	[tilespmem:s19+$0xFFFFFFC0] =	vst v0  }
0x1d: {  	[tilespmem:s19+$0xFFFFFFB0] =	vst v0  }
0x1e: {  	s20 =	simm.s32 $0x0;
	[tilespmem:s19+$0xFFFFFFA0] =	vst v0  }
.LBB2_2:
0x1f: {  	s20 =	sadd.s32 $0x10, s20;
	[tilespmem:s19+$0xFFFFFF90] =	vst v0;
	s19 =	sadd.s32 $0x100, s19  }
0x20: {  	[tilespmem:s19+$0xFFFFFF80] =	vst v0;
	p0 =	slt.u32 s20, $0x1870  }
0x21: {  	[tilespmem:s19+$0x70] =	vst v0  }
0x22: {  	[tilespmem:s19+$0x60] =	vst v0  }
0x23: {  	[tilespmem:s19+$0x50] =	vst v0  }
0x24: {  	[tilespmem:s19+$0x40] =	vst v0  }
0x25: {  	[tilespmem:s19+$0x30] =	vst v0  }
0x26: {  	[tilespmem:s19+$0x20] =	vst v0  }
0x27: {  	[tilespmem:s19+$0x10] =	vst v0  }
0x28: {  	[tilespmem:s19+$0x0] =	vst v0  }
0x29: {  	[tilespmem:s19+$0xFFFFFFF0] =	vst v0  }
.Ltmp0:
0x2a: {  	[tilespmem:s19+$0xFFFFFFE0] =	vst v0;
	(pc) =	sbr.rel @p0 .LBB2_2-.Ltmp0, $4  }
0x2b: {  	[tilespmem:s19+$0xFFFFFFD0] =	vst v0  }
0x2c: {  	[tilespmem:s19+$0xFFFFFFC0] =	vst v0  }
0x2d: {  	[tilespmem:s19+$0xFFFFFFB0] =	vst v0  }
0x2e: {  	[tilespmem:s19+$0xFFFFFFA0] =	vst v0  }
0x2f: {  	[tilespmem:s19+$0xFFFFFF90] =	vst v0;
	s19 =	simm.s32 $0x0  }
.LBB2_4:
0x30: {  	s20 =	smul.u32 $0x1F40, s19;
	_ =	sdelay $0x1  }
0x31: {  	s21 =	sadd.s32 s20, s7  }
0x32: {  	s21 =	sshrl.u32 s21, $0x3  }
0x33: {  	s22 =	sadd.s32 s3, s21  }
0x34: {  	[tilespmem:s13], [sflag:$0x2] =	stream.linear.gather [hbm4b:s22+s4], $0xFA0, $0x38;
	[tilespmem:$0x1C680] =	vst v63  }
0x35: {  	s21 =	sadd.s32 s1, s21  }
0x36: {  	[tilespmem:s14], [sflag:$0x2] =	stream.linear.gather [hbm4b:s21+s4], $0xFA0, $0x38;
	[tilespmem:$0x1C680] =	vst v63  }
0x37: {  	_ =	swait.ge [sflag:s15], $0xFA0  }
0x38: {  	[sflag:s15] =	ssyncset.done $0x0  }
0x39: {  	[sflag:s15] =	ssyncadd.s32 $0xFFFFF060  }
0x3a: {  	_ =	swait.ge [sflag:s15], $0xFA0  }
0x3b: {  	[sflag:s15] =	ssyncset.done $0x0  }
0x3c: {  	s31 =	simm.s32 $0x18850;
	[sflag:s15] =	ssyncadd.s32 $0xFFFFF060  }
0x3d: {  	v1 =	vld [tilespmem:s31+$0x40]  }
0x3e: {  	v2 =	vld [tilespmem:s31+$0xFFFFFFC0]  }
0x3f: {  	s21 =	simm.s32 $0x197F0;
	v3 =	vld [tilespmem:s31+$0xFFFFFFD0]  }
0x40: {  	v4 =	vld [tilespmem:s21+$0x40]  }
0x41: {  	v5 =	vld [tilespmem:s31+$0xFFFFFFE0]  }
0x42: {  	v6 =	vld [tilespmem:s31+$0xFFFFFFF0]  }
0x43: {  	v7 =	vld [tilespmem:s31+$0x0]  }
0x44: {  	v8 =	vld [tilespmem:s31+$0x10]  }
0x45: {  	v63 =	vld [tilespmem:s31+$0x30]  }
0x46: {  	v9 =	vld [tilespmem:s31+$0xFFFFFFB0]  }
0x47: {  	v10 =	vld [tilespmem:s21+$0xFFFFFFB0]  }
0x48: {  	v11 =	vld [tilespmem:s21+$0xFFFFFFC0]  }
0x49: {  	v12 =	vld [tilespmem:s21+$0xFFFFFFD0]  }
0x4a: {  	v13 =	vld [tilespmem:s21+$0xFFFFFFE0]  }
0x4b: {  	v14 =	vld [tilespmem:s21+$0xFFFFFFF0]  }
0x4c: {  	v15 =	vld [tilespmem:s21+$0x0]  }
0x4d: {  	v16 =	vld [tilespmem:s21+$0x10]  }
0x4e: {  	v17 =	vld [tilespmem:s21+$0x20]  }
0x4f: {  	v18 =	vld [tilespmem:s21+$0x30]  }
0x50: {  	[tilespmem:v1+s4+$0x0] =	vst.idx.add.f32.msk $0xffff, v4  }
0x51: {  	v1 =	vld [tilespmem:s31+$0x20]  }
0x52: {  	[tilespmem:v9+s4+$0x0] =	vst.idx.add.f32.msk $0xffff, v10  }
0x53: {  	[tilespmem:v2+s4+$0x0] =	vst.idx.add.f32.msk $0xffff, v11  }
0x54: {  	[tilespmem:v3+s4+$0x0] =	vst.idx.add.f32.msk $0xffff, v12  }
0x55: {  	[tilespmem:v5+s4+$0x0] =	vst.idx.add.f32.msk $0xffff, v13  }
0x56: {  	[tilespmem:v6+s4+$0x0] =	vst.idx.add.f32.msk $0xffff, v14  }
0x57: {  	[tilespmem:v7+s4+$0x0] =	vst.idx.add.f32.msk $0xffff, v15  }
0x58: {  	[tilespmem:v8+s4+$0x0] =	vst.idx.add.f32.msk $0xffff, v16  }
0x59: {  	[tilespmem:v63+s4+$0x0] =	vst.idx.add.f32.msk $0xffff, v18  }
0x5a: {  	s23 =	simm.s32 $0x188F0;
	s22 =	simm.s32 $0x0;
	[tilespmem:v1+s4+$0x0] =	vst.idx.add.f32.msk $0xffff, v17  }
.LBB2_5:
0x5b: {  	v1 =	vld [tilespmem:s23+$0x40];
	s22 =	sadd.s32 $0xA, s22  }
0x5c: {  	v2 =	vld [tilespmem:s23+$0xFFFFFFC0];
	p0 =	slt.u32 s22, $0xF0  }
0x5d: {  	s21 =	sadd.s32 $0xA0, s21;
	v3 =	vld [tilespmem:s23+$0xFFFFFFD0]  }
0x5e: {  	v4 =	vld [tilespmem:s21+$0x40]  }
0x5f: {  	v5 =	vld [tilespmem:s23+$0xFFFFFFE0]  }
0x60: {  	v6 =	vld [tilespmem:s23+$0xFFFFFFF0]  }
0x61: {  	v7 =	vld [tilespmem:s23+$0x0]  }
0x62: {  	v8 =	vld [tilespmem:s23+$0x10]  }
0x63: {  	[tilespmem:v1+s4+$0x0] =	vst.idx.add.f32.msk $0xffff, v4  }
0x64: {  	v1 =	vld [tilespmem:s23+$0x20]  }
0x65: {  	v4 =	vld [tilespmem:s23+$0x30]  }
0x66: {  	v9 =	vld [tilespmem:s23+$0xFFFFFFB0]  }
0x67: {  	v10 =	vld [tilespmem:s21+$0xFFFFFFB0]  }
0x68: {  	v11 =	vld [tilespmem:s21+$0xFFFFFFC0]  }
0x69: {  	v12 =	vld [tilespmem:s21+$0xFFFFFFD0]  }
0x6a: {  	v13 =	vld [tilespmem:s21+$0xFFFFFFE0]  }
0x6b: {  	v14 =	vld [tilespmem:s21+$0xFFFFFFF0]  }
0x6c: {  	v15 =	vld [tilespmem:s21+$0x0]  }
0x6d: {  	v16 =	vld [tilespmem:s21+$0x10]  }
0x6e: {  	v17 =	vld [tilespmem:s21+$0x20]  }
0x6f: {  	v18 =	vld [tilespmem:s21+$0x30]  }
0x70: {  	[tilespmem:v9+s4+$0x0] =	vst.idx.add.f32.msk $0xffff, v10  }
0x71: {  	[tilespmem:v2+s4+$0x0] =	vst.idx.add.f32.msk $0xffff, v11  }
0x72: {  	[tilespmem:v3+s4+$0x0] =	vst.idx.add.f32.msk $0xffff, v12  }
0x73: {  	[tilespmem:v5+s4+$0x0] =	vst.idx.add.f32.msk $0xffff, v13  }
.Ltmp1:
0x74: {  	[tilespmem:v6+s4+$0x0] =	vst.idx.add.f32.msk $0xffff, v14;
	(pc) =	sbr.rel @p0 .LBB2_5-.Ltmp1, $4  }
0x75: {  	[tilespmem:v7+s4+$0x0] =	vst.idx.add.f32.msk $0xffff, v15  }
0x76: {  	[tilespmem:v8+s4+$0x0] =	vst.idx.add.f32.msk $0xffff, v16  }
0x77: {  	[tilespmem:v1+s4+$0x0] =	vst.idx.add.f32.msk $0xffff, v17  }
0x78: {  	s23 =	sadd.s32 $0xA0, s23;
	[tilespmem:v4+s4+$0x0] =	vst.idx.add.f32.msk $0xffff, v18  }
0x79: {  	p0 =	seq.s32 s19, $0x18  }
0x7a: {  	s20 =	sadd.s32 @!p0 s20, s8  }
0x7b: {  	s20 =	sshrl.u32 @!p0 s20, $0x3  }
0x7c: {  	s22 =	simm.s32 @!p0 $0x0;
	s23 =	simm.s32 @!p0 $0x18800;
	s21 =	sadd.s32 @!p0 s3, s20  }
0x7d: {  	[tilespmem:s23], [sflag:$0x1] =	stream.linear.gather @!p0 [hbm4b:s21+s22], $0xFA0, $0x38;
	[tilespmem:$0x1C680] =	vst v63  }
0x7e: {  	s20 =	sadd.s32 @!p0 s1, s20;
	s21 =	simm.s32 @!p0 $0x197A0  }
0x7f: {  	[tilespmem:s21], [sflag:$0x1] =	stream.linear.gather @!p0 [hbm4b:s20+s22], $0xFA0, $0x38;
	[tilespmem:$0x1C680] =	vst v63  }
0x80: {  	_ =	swait.ge [sflag:s16], $0xFA0  }
0x81: {  	[sflag:s16] =	ssyncset.done $0x0  }
0x82: {  	[sflag:s16] =	ssyncadd.s32 $0xFFFFF060  }
0x83: {  	_ =	swait.ge [sflag:s16], $0xFA0  }
0x84: {  	[sflag:s16] =	ssyncset.done $0x0  }
0x85: {  	s31 =	simm.s32 $0x1A790;
	[sflag:s16] =	ssyncadd.s32 $0xFFFFF060  }
0x86: {  	v1 =	vld [tilespmem:s31+$0x40]  }
0x87: {  	v2 =	vld [tilespmem:s31+$0xFFFFFFC0]  }
0x88: {  	s20 =	simm.s32 $0x1B730;
	v3 =	vld [tilespmem:s31+$0xFFFFFFD0]  }
0x89: {  	v4 =	vld [tilespmem:s20+$0x40]  }
0x8a: {  	v5 =	vld [tilespmem:s31+$0xFFFFFFE0]  }
0x8b: {  	v6 =	vld [tilespmem:s31+$0xFFFFFFF0]  }
0x8c: {  	v7 =	vld [tilespmem:s31+$0x0]  }
0x8d: {  	v8 =	vld [tilespmem:s31+$0x10]  }
0x8e: {  	v63 =	vld [tilespmem:s31+$0x30]  }
0x8f: {  	v9 =	vld [tilespmem:s31+$0xFFFFFFB0]  }
0x90: {  	v10 =	vld [tilespmem:s20+$0xFFFFFFB0]  }
0x91: {  	v11 =	vld [tilespmem:s20+$0xFFFFFFC0]  }
0x92: {  	v12 =	vld [tilespmem:s20+$0xFFFFFFD0]  }
0x93: {  	v13 =	vld [tilespmem:s20+$0xFFFFFFE0]  }
0x94: {  	v14 =	vld [tilespmem:s20+$0xFFFFFFF0]  }
0x95: {  	v15 =	vld [tilespmem:s20+$0x0]  }
0x96: {  	v16 =	vld [tilespmem:s20+$0x10]  }
0x97: {  	v17 =	vld [tilespmem:s20+$0x20]  }
0x98: {  	v18 =	vld [tilespmem:s20+$0x30]  }
0x99: {  	[tilespmem:v1+s4+$0x0] =	vst.idx.add.f32.msk $0xffff, v4  }
0x9a: {  	v1 =	vld [tilespmem:s31+$0x20]  }
0x9b: {  	[tilespmem:v9+s4+$0x0] =	vst.idx.add.f32.msk $0xffff, v10  }
0x9c: {  	[tilespmem:v2+s4+$0x0] =	vst.idx.add.f32.msk $0xffff, v11  }
0x9d: {  	[tilespmem:v3+s4+$0x0] =	vst.idx.add.f32.msk $0xffff, v12  }
0x9e: {  	[tilespmem:v5+s4+$0x0] =	vst.idx.add.f32.msk $0xffff, v13  }
0x9f: {  	[tilespmem:v6+s4+$0x0] =	vst.idx.add.f32.msk $0xffff, v14  }
0xa0: {  	[tilespmem:v7+s4+$0x0] =	vst.idx.add.f32.msk $0xffff, v15  }
0xa1: {  	[tilespmem:v8+s4+$0x0] =	vst.idx.add.f32.msk $0xffff, v16  }
0xa2: {  	[tilespmem:v63+s4+$0x0] =	vst.idx.add.f32.msk $0xffff, v18  }
0xa3: {  	s21 =	simm.s32 $0x0;
	s22 =	simm.s32 $0x1A830;
	[tilespmem:v1+s4+$0x0] =	vst.idx.add.f32.msk $0xffff, v17  }
.LBB2_7:
0xa4: {  	v1 =	vld [tilespmem:s22+$0x40];
	s21 =	sadd.s32 $0xA, s21  }
0xa5: {  	v2 =	vld [tilespmem:s22+$0xFFFFFFC0];
	p0 =	slt.u32 s21, $0xF0  }
0xa6: {  	s20 =	sadd.s32 $0xA0, s20;
	v3 =	vld [tilespmem:s22+$0xFFFFFFD0]  }
0xa7: {  	v4 =	vld [tilespmem:s20+$0x40]  }
0xa8: {  	v5 =	vld [tilespmem:s22+$0xFFFFFFE0]  }
0xa9: {  	v6 =	vld [tilespmem:s22+$0xFFFFFFF0]  }
0xaa: {  	v7 =	vld [tilespmem:s22+$0x0]  }
0xab: {  	v8 =	vld [tilespmem:s22+$0x10]  }
0xac: {  	[tilespmem:v1+s4+$0x0] =	vst.idx.add.f32.msk $0xffff, v4  }
0xad: {  	v1 =	vld [tilespmem:s22+$0x20]  }
0xae: {  	v4 =	vld [tilespmem:s22+$0x30]  }
0xaf: {  	v9 =	vld [tilespmem:s22+$0xFFFFFFB0]  }
0xb0: {  	v10 =	vld [tilespmem:s20+$0xFFFFFFB0]  }
0xb1: {  	v11 =	vld [tilespmem:s20+$0xFFFFFFC0]  }
0xb2: {  	v12 =	vld [tilespmem:s20+$0xFFFFFFD0]  }
0xb3: {  	v13 =	vld [tilespmem:s20+$0xFFFFFFE0]  }
0xb4: {  	v14 =	vld [tilespmem:s20+$0xFFFFFFF0]  }
0xb5: {  	v15 =	vld [tilespmem:s20+$0x0]  }
0xb6: {  	v16 =	vld [tilespmem:s20+$0x10]  }
0xb7: {  	v17 =	vld [tilespmem:s20+$0x20]  }
0xb8: {  	v18 =	vld [tilespmem:s20+$0x30]  }
0xb9: {  	[tilespmem:v9+s4+$0x0] =	vst.idx.add.f32.msk $0xffff, v10  }
0xba: {  	[tilespmem:v2+s4+$0x0] =	vst.idx.add.f32.msk $0xffff, v11  }
0xbb: {  	[tilespmem:v3+s4+$0x0] =	vst.idx.add.f32.msk $0xffff, v12  }
0xbc: {  	[tilespmem:v5+s4+$0x0] =	vst.idx.add.f32.msk $0xffff, v13  }
.Ltmp2:
0xbd: {  	[tilespmem:v6+s4+$0x0] =	vst.idx.add.f32.msk $0xffff, v14;
	(pc) =	sbr.rel @p0 .LBB2_7-.Ltmp2, $4  }
0xbe: {  	[tilespmem:v7+s4+$0x0] =	vst.idx.add.f32.msk $0xffff, v15  }
0xbf: {  	[tilespmem:v8+s4+$0x0] =	vst.idx.add.f32.msk $0xffff, v16  }
0xc0: {  	[tilespmem:v1+s4+$0x0] =	vst.idx.add.f32.msk $0xffff, v17  }
0xc1: {  	s22 =	sadd.s32 $0xA0, s22;
	[tilespmem:v4+s4+$0x0] =	vst.idx.add.f32.msk $0xffff, v18  }
0xc2: {  	s19 =	sadd.s32 $0x1, s19  }
0xc3: {  	p0 =	sne.s32 s19, $0x19  }
.Ltmp3:
0xc4: {  	_ = 	snop;
	(pc) =	sbr.rel @p0 .LBB2_4-.Ltmp3, $1  }
0xc5: {  	_ =	sdelay $0x3  }
0xc6: {  	s18 =	sadd.s32 $0x1, s18  }
0xc7: {  	p0 =	sne.s32 s18, s10  }
.Ltmp4:
0xc8: {  	_ = 	snop;
	(pc) =	sbr.rel @p0 .LBB2_1-.Ltmp4, $4  }
0xc9: {  	[hbm4b:s9+s4] =	stream.linear.scatter [tilespmem:s4], [sflag:$0x3], $0x18800, $0x38;
	[tilespmem:$0x1C680] =	vst v63  }
0xca: {  	_ =	swait.ge [sflag:s17], $0x18800  }
0xcb: {  	[sflag:s17] =	ssyncset.done $0x0  }
0xcc: {  	[sflag:s17] =	ssyncadd.s32 $0xFFFE7800  }
0xcd: {  	_ =	sfence.sel $0x180000  }
0xce: {  	[bflag:$0x0] =	sbarrier.arrive $0xFFFF  }
0xcf: {  	p0 =	sne.s32 s0, $0x0;
	_ =	strace $0x90000047  }
0xd0: {  	s0 =	sadd.s32 @!p0 $0x100000, s2;
	[bflag:$0x2] =	sbarrier.arrive $0xFFFF  }
0xd1: {  	[sflag:s0] =	ssyncadd.tile.s32 @!p0 $0x1;
	_ =	shalt  }
.Lfunc_end2:
_tile_overlayer_lowered:
.L_overlay_start_2:
0xd2: {  	(tag) =	ssettag $0x2  }
0xd3: {  	s0 =	rddreg [dreg:$0x0];
	s2 =	stileid.u32  }
0xd4: {  	s1 =	rddreg [dreg:$0x1];
	p0 =	sne.s32 s2, $0x0  }
0xd5: {  	s3 =	rddreg [dreg:$0x2];
	[bflag:$0x3] =	sbarrier.arrive $0xFFFF;
	s2 =	simm.s32 @!p0 $0x1C03  }
0xd6: {  	[timem:s3], [sflag:s2] =	dma.local @!p0 [hbm:s0], s1  }
0xd7: {  	s0 =	simm.s32 @!p0 $0x3  }
0xd8: {  	_ =	swait.ge @!p0 [sflag:s0], s1  }
0xd9: {  	s1 =	ssub.s32 @!p0 $0x0, s1;
	[sflag:s0] =	ssyncset.done @!p0 $0x0  }
0xda: {  	[sflag:s0] =	ssyncadd.s32 @!p0 s1  }
0xdb: {  	[bflag:$0x3] =	sbarrier.arrive $0xFFFF  }
0xdc: {  	_ =	shalt  }

</sc_bundles>
